<compile_context>
chip_gen: v7x
topology: tpu7x:2x2x1
jax: 0.10.2.dev20260603
libtpu: 0.0.44.dev20260713+nightly
codegen_flags: <defaults>
</compile_context>

<pallas_src>
import functools

import jax
import jax.numpy as jnp
from jax import lax
from jax.experimental import pallas as pl
from jax.experimental.pallas import tpu as pltpu
from jax.experimental.pallas import tpu_sc as plsc

LAMBD_ = 0.5
CPAD = 1024
SENTINEL = 1.0e5
BN = 1024


def _gather_rows(table, idx):
    v, d = table.shape
    b = idx.shape[0]
    info = plsc.get_sparse_core_info()
    nw = info.num_cores * info.num_subcores
    b_per_w = b // nw
    mesh = plsc.VectorSubcoreMesh(core_axis_name="c", subcore_axis_name="s")

    @functools.partial(
        pl.kernel, mesh=mesh,
        out_type=jax.ShapeDtypeStruct((b, d), jnp.float32),
        scratch_types=[
            pltpu.VMEM((b_per_w,), jnp.int32),
            pltpu.VMEM((b_per_w, d), jnp.float32),
            pltpu.SemaphoreType.DMA,
        ],
    )
    def k(idx_hbm, table_hbm, out_hbm, idx_v, rows_v, sem):
        wid = lax.axis_index("s") * info.num_cores + lax.axis_index("c")
        base = wid * b_per_w
        pltpu.sync_copy(idx_hbm.at[pl.ds(base, b_per_w)], idx_v)
        pltpu.async_copy(table_hbm.at[idx_v], rows_v, sem).wait()
        pltpu.sync_copy(rows_v, out_hbm.at[pl.ds(base, b_per_w)])

    return k(idx, table)


def _loss_body(e_ref, g_ref, c_ref, out_ref, ct_s, c2_s, tot_s, cnt_s):
    i = pl.program_id(0)
    nsteps = pl.num_programs(0)
    c = c_ref.shape[0]

    @pl.when(i == 0)
    def _init():
        ct_s[...] = jnp.full(ct_s.shape, SENTINEL, jnp.float32)
        ct_s[:, :c] = c_ref[...].T
        ct0 = ct_s[...]
        c2_s[...] = jnp.sum(ct0 * ct0, axis=0, keepdims=True)
        tot_s[...] = jnp.zeros_like(tot_s)
        cnt_s[...] = jnp.zeros_like(cnt_s)

    e = e_ref[...]
    g = g_ref[...]
    ct = ct_s[...]
    c2 = c2_s[...]

    dot = jnp.dot(e, ct, preferred_element_type=jnp.float32)
    u = c2 - 2.0 * dot

    uat = jnp.sum(g * (g - 2.0 * e), axis=1, keepdims=True)
    diff = (LAMBD_ + uat) - u
    pos = diff > 0.0
    tot_s[...] += jnp.sum(jnp.where(pos, diff, 0.0)).reshape(1, 1)
    cnt_s[...] += jnp.sum(pos.astype(jnp.float32)).reshape(1, 1)

    @pl.when(i == nsteps - 1)
    def _fin():
        n = e_ref.shape[0] * nsteps
        total = tot_s[0, 0] - n * LAMBD_
        count = cnt_s[0, 0] - n
        loss = jnp.where(count > 0, total / jnp.maximum(count, 1.0), 0.0)
        out_ref[...] = loss.reshape(1, 1)


def kernel(embeddings, targets, centers):
    n, d = embeddings.shape
    c = centers.shape[0]
    g = _gather_rows(centers, targets.astype(jnp.int32))

    out = pl.pallas_call(
        _loss_body,
        grid=(n // BN,),
        in_specs=[
            pl.BlockSpec((BN, d), lambda i: (i, 0)),
            pl.BlockSpec((BN, d), lambda i: (i, 0)),
            pl.BlockSpec((c, d), lambda i: (0, 0)),
        ],
        out_specs=pl.BlockSpec((1, 1), lambda i: (0, 0)),
        out_shape=jax.ShapeDtypeStruct((1, 1), jnp.float32),
        scratch_shapes=[
            pltpu.VMEM((d, CPAD), jnp.float32),
            pltpu.VMEM((1, CPAD), jnp.float32),
            pltpu.VMEM((1, 1), jnp.float32),
            pltpu.VMEM((1, 1), jnp.float32),
        ],
    )(embeddings, g, centers)

    return out[0, 0]

# --- scband reference (transcript-rebuilt; emitter-appended) ---
"""Pipeline reference for scband-online-center-loss-82927228551475 (READ-ONLY COPY).

The authoritative reference and input builder live on the scoring server;
editing this copy changes nothing except your own understanding.
"""

import jax, jax.numpy as jnp
import numpy as np

LAMBD = 0.5
N, D, C = 4096, 256, 1000


def setup_inputs(seed: int = 0) -> dict:
    key = jax.random.key(seed)
    k1, k2, k3 = jax.random.split(key, 3)
    embeddings = jax.random.normal(k1, (N, D), dtype=jnp.float32)
    targets = jax.random.randint(k2, (N,), 0, C)
    centers = jax.random.normal(k3, (C, D), dtype=jnp.float32)
    return {"embeddings": embeddings, "targets": targets, "centers": centers}


def reference(embeddings, targets, centers):
    # Vectorized, mathematically-identical rewrite of the per-sample python triplet
    # enumeration loop in get_pesTriplet + the triplet margin loss.
    lambd = LAMBD
    # squared euclidean distance from every embedding to every center: [N, C]
    e2 = jnp.sum(embeddings * embeddings, axis=1, keepdims=True)
    c2 = jnp.sum(centers * centers, axis=1)[None, :]
    dist = e2 + c2 - 2.0 * (embeddings @ centers.T)
    n = embeddings.shape[0]
    rows = jnp.arange(n)
    ap = dist[rows, targets]  # distance to own-class center, [N]
    # loss_val[i, c] = lambd + ap_dis[i] - dis_to_centers[i, c]
    loss_mat = lambd + ap[:, None] - dist
    mask = loss_mat > 0
    mask = mask.at[rows, targets].set(False)  # exclude the positive class
    maskf = mask.astype(embeddings.dtype)
    # for selected triplets: relu(ap - an + lambd) == loss_mat (which is > 0)
    losses = jax.nn.relu(loss_mat) * maskf
    count = jnp.sum(maskf)
    total = jnp.sum(losses)
    denom = jnp.maximum(count, 1.0)
    return jnp.where(count > 0, total / denom, jnp.zeros((), dtype=embeddings.dtype))

if __name__ == "__main__":
    import jax
    _d = setup_inputs()
    print(jax.jit(kernel)(*tuple(_d.values())))

</pallas_src>

<mosaic_0001>
#map = affine_map<(d0, d1) -> (0)>
#map1 = affine_map<(d0, d1) -> (0, 0)>
module attributes {stable_mosaic.version = 14 : i64} {
  func.func @k(%arg0: i32, %arg1: i32, %arg2: memref<4096xi32, #tpu.memory_space<hbm>>, %arg3: memref<1000x256xf32, #tpu.memory_space<hbm>>, %arg4: memref<4096x256xf32, #tpu.memory_space<hbm>>, %arg5: memref<128xi32, #tpu.memory_space<vmem>>, %arg6: memref<128x256xf32, #tpu.memory_space<vmem>>, %arg7: memref<!tpu.dma_semaphore, #tpu.memory_space<semaphore_mem>>) attributes {dimension_semantics = [#tpu.dimension_semantics<core_parallel>, #tpu.dimension_semantics<subcore_parallel>], iteration_bounds = array<i64: 2, 16>, scalar_prefetch = 0 : i64, scratch_operands = 3 : i64, tpu.core_type = #tpu.core_type<sc_vector_subcore>, window_params = [{transform_indices = #map}, {transform_indices = #map1}, {transform_indices = #map1}]} {
    %mul3A = arith.constant 2 : i32
    %mul3A_0 = arith.muli %arg1, %mul3A : i32
    %add3A = arith.addi %mul3A_0, %arg0 : i32
    %mul3A_1 = arith.constant 128 : i32
    %mul3A_2 = arith.muli %add3A, %mul3A_1 : i32
    "tpu.region"() ({
      %run_scoped3A = tpu.sem_alloc : memref<!tpu.dma_semaphore, #tpu.memory_space<semaphore_mem>>
      %dma_start3A_7 = tpu.memref_slice %arg2[%mul3A_2] : memref<4096xi32, #tpu.memory_space<hbm>> -> memref<128xi32, #tpu.memory_space<hbm>>
      %dma_start3A_8 = tpu.memref_slice %arg2[%mul3A_2] : memref<4096xi32, #tpu.memory_space<hbm>> -> memref<128xi32, #tpu.memory_space<hbm>>
      tpu.enqueue_dma source(%dma_start3A_8 : memref<128xi32, #tpu.memory_space<hbm>>) target(%arg5 : memref<128xi32, #tpu.memory_space<vmem>>) target_semaphore(%run_scoped3A : memref<!tpu.dma_semaphore, #tpu.memory_space<semaphore_mem>>)
      %dma_wait3A_9 = tpu.memref_slice %arg2[%mul3A_2] : memref<4096xi32, #tpu.memory_space<hbm>> -> memref<128xi32, #tpu.memory_space<hbm>>
      %dma_wait3A_10 = tpu.memref_slice %arg2[%mul3A_2] : memref<4096xi32, #tpu.memory_space<hbm>> -> memref<128xi32, #tpu.memory_space<hbm>>
      tpu.wait_dma2 semaphore(%run_scoped3A : memref<!tpu.dma_semaphore, #tpu.memory_space<semaphore_mem>>) src(%dma_wait3A_10 : memref<128xi32, #tpu.memory_space<hbm>>) dst(%arg5 : memref<128xi32, #tpu.memory_space<vmem>>)
      tpu.yield
    }) : () -> ()
    %dma_start3A = arith.constant 0 : i32
    %dma_start3A_3 = arith.constant 0 : i32
    %dma_start3A_4 = tpu.memref_slice %arg3[%dma_start3A, %dma_start3A_3] : memref<1000x256xf32, #tpu.memory_space<hbm>> -> memref<1000x256xf32, #tpu.memory_space<hbm>>
    tpu.enqueue_indirect_dma source(%dma_start3A_4 : memref<1000x256xf32, #tpu.memory_space<hbm>>) target(%arg6 : memref<128x256xf32, #tpu.memory_space<vmem>>) offsets(%arg5 : memref<128xi32, #tpu.memory_space<vmem>>) semaphore(%arg7 : memref<!tpu.dma_semaphore, #tpu.memory_space<semaphore_mem>>)
    %dma_wait3A = arith.constant 0 : i32
    %dma_wait3A_5 = arith.constant 0 : i32
    %dma_wait3A_6 = tpu.memref_slice %arg3[%dma_wait3A, %dma_wait3A_5] : memref<1000x256xf32, #tpu.memory_space<hbm>> -> memref<1000x256xf32, #tpu.memory_space<hbm>>
    tpu.wait_indirect_dma semaphore(%arg7 : memref<!tpu.dma_semaphore, #tpu.memory_space<semaphore_mem>>) src(%dma_wait3A_6 : memref<1000x256xf32, #tpu.memory_space<hbm>>) dst(%arg6 : memref<128x256xf32, #tpu.memory_space<vmem>>)
    "tpu.region"() ({
      %run_scoped3A = tpu.sem_alloc : memref<!tpu.dma_semaphore, #tpu.memory_space<semaphore_mem>>
      %dma_start3A_7 = arith.constant 0 : i32
      %dma_start3A_8 = tpu.memref_slice %arg4[%mul3A_2, %dma_start3A_7] : memref<4096x256xf32, #tpu.memory_space<hbm>> -> memref<128x256xf32, #tpu.memory_space<hbm>>
      %dma_start3A_9 = arith.constant 0 : i32
      %dma_start3A_10 = tpu.memref_slice %arg4[%mul3A_2, %dma_start3A_9] : memref<4096x256xf32, #tpu.memory_space<hbm>> -> memref<128x256xf32, #tpu.memory_space<hbm>>
      tpu.enqueue_dma source(%arg6 : memref<128x256xf32, #tpu.memory_space<vmem>>) target(%dma_start3A_10 : memref<128x256xf32, #tpu.memory_space<hbm>>) target_semaphore(%run_scoped3A : memref<!tpu.dma_semaphore, #tpu.memory_space<semaphore_mem>>)
      %dma_wait3A_11 = arith.constant 0 : i32
      %dma_wait3A_12 = tpu.memref_slice %arg4[%mul3A_2, %dma_wait3A_11] : memref<4096x256xf32, #tpu.memory_space<hbm>> -> memref<128x256xf32, #tpu.memory_space<hbm>>
      %dma_wait3A_13 = arith.constant 0 : i32
      %dma_wait3A_14 = tpu.memref_slice %arg4[%mul3A_2, %dma_wait3A_13] : memref<4096x256xf32, #tpu.memory_space<hbm>> -> memref<128x256xf32, #tpu.memory_space<hbm>>
      tpu.wait_dma2 semaphore(%run_scoped3A : memref<!tpu.dma_semaphore, #tpu.memory_space<semaphore_mem>>) src(%arg6 : memref<128x256xf32, #tpu.memory_space<vmem>>) dst(%dma_wait3A_14 : memref<128x256xf32, #tpu.memory_space<hbm>>)
      tpu.yield
    }) : () -> ()
    return
  }
}

module attributes {stable_mosaic.version = 14 : i64} {
  func.func @_loss_body(%arg0: i32, %arg1: memref<1024x256xf32, #tpu.memory_space<vmem>>, %arg2: memref<1024x256xf32, #tpu.memory_space<vmem>>, %arg3: memref<1000x256xf32, #tpu.memory_space<vmem>>, %arg4: memref<1x1xf32, #tpu.memory_space<vmem>>, %arg5: memref<256x1024xf32, #tpu.memory_space<vmem>>, %arg6: memref<1x1024xf32, #tpu.memory_space<vmem>>, %arg7: memref<1x1xf32, #tpu.memory_space<vmem>>, %arg8: memref<1x1xf32, #tpu.memory_space<vmem>>) attributes {dimension_semantics = [#tpu.dimension_semantics<arbitrary>], iteration_bounds = array<i64: 4>, scalar_prefetch = 0 : i64, scratch_operands = 4 : i64, tpu.core_type = #tpu.core_type<tc>, window_params = [{transform_indices = @transform_0, window_bounds = array<i64: 1024, 256>}, {transform_indices = @transform_1, window_bounds = array<i64: 1024, 256>}, {pipeline_mode = #tpu.pipeline_mode<synchronous>, transform_indices = @transform_2, window_bounds = array<i64: 1000, 256>}, {pipeline_mode = #tpu.pipeline_mode<synchronous>, transform_indices = @transform_3, window_bounds = array<i64: 1, 1>}]} {
    %eq3A = arith.constant 0 : i32
    %eq3A_0 = arith.cmpi eq, %arg0, %eq3A : i32
    %convert_element_type3A = arith.extui %eq3A_0 : i1 to i32
    %cond3A = arith.constant 0 : i32
    %cond3A_1 = arith.cmpi ne, %convert_element_type3A, %cond3A : i32
    scf.if %cond3A_1 {
      %broadcast_in_dim3A_61 = arith.constant 1.000000e+05 : f32
      %broadcast_in_dim3A_62 = vector.broadcast %broadcast_in_dim3A_61 : f32 to vector<256x1024xf32>
      %swap3A_63 = arith.constant 0 : index
      %swap3A_64 = arith.constant 0 : index
      %swap3A_65 = vector.load %arg5[%swap3A_63, %swap3A_64] : memref<256x1024xf32, #tpu.memory_space<vmem>>, vector<256x1024xf32>
      tpu.vector_store %arg5[%swap3A_63, %swap3A_64], %broadcast_in_dim3A_62 {strides = array<i32>} : memref<256x1024xf32, #tpu.memory_space<vmem>>, vector<256x1024xf32>,
      %get3A_66 = arith.constant 0 : index
      %get3A_67 = arith.constant 0 : index
      %get3A_68 = vector.load %arg3[%get3A_66, %get3A_67] : memref<1000x256xf32, #tpu.memory_space<vmem>>, vector<1000x256xf32>
      %transpose3A = tpu.transpose %get3A_68, [1, 0] : vector<1000x256xf32> -> vector<256x1000xf32>
      %swap3A_69 = arith.constant 0 : index
      %swap3A_70 = arith.constant 0 : index
      %swap3A_71 = vector.load %arg5[%swap3A_69, %swap3A_70] : memref<256x1024xf32, #tpu.memory_space<vmem>>, vector<256x1000xf32>
      tpu.vector_store %arg5[%swap3A_69, %swap3A_70], %transpose3A {strides = array<i32>} : memref<256x1024xf32, #tpu.memory_space<vmem>>, vector<256x1000xf32>,
      %get3A_72 = arith.constant 0 : index
      %get3A_73 = arith.constant 0 : index
      %get3A_74 = vector.load %arg5[%get3A_72, %get3A_73] : memref<256x1024xf32, #tpu.memory_space<vmem>>, vector<256x1024xf32>
      %mul3A_75 = arith.mulf %get3A_74, %get3A_74 : vector<256x1024xf32>
      %reduce_sum3A_76 = arith.constant dense<0.000000e+00> : vector<1024xf32>
      %reduce_sum3A_77 = vector.multi_reduction <add>, %mul3A_75, %reduce_sum3A_76 [0] : vector<256x1024xf32> to vector<1024xf32>
      %broadcast_in_dim3A_78 = vector.shape_cast %reduce_sum3A_77 : vector<1024xf32> to vector<1x1024xf32>
      %swap3A_79 = arith.constant 0 : index
      %swap3A_80 = arith.constant 0 : index
      %swap3A_81 = vector.load %arg6[%swap3A_79, %swap3A_80] : memref<1x1024xf32, #tpu.memory_space<vmem>>, vector<1x1024xf32>
      tpu.vector_store %arg6[%swap3A_79, %swap3A_80], %broadcast_in_dim3A_78 {strides = array<i32>} : memref<1x1024xf32, #tpu.memory_space<vmem>>, vector<1x1024xf32>,
      %broadcast_in_dim3A_82 = arith.constant 0.000000e+00 : f32
      %broadcast_in_dim3A_83 = vector.broadcast %broadcast_in_dim3A_82 : f32 to vector<1x1xf32>
      %swap3A_84 = arith.constant 0 : index
      %swap3A_85 = arith.constant 0 : index
      %swap3A_86 = vector.load %arg7[%swap3A_84, %swap3A_85] : memref<1x1xf32, #tpu.memory_space<vmem>>, vector<1x1xf32>
      tpu.vector_store %arg7[%swap3A_84, %swap3A_85], %broadcast_in_dim3A_83 {strides = array<i32>} : memref<1x1xf32, #tpu.memory_space<vmem>>, vector<1x1xf32>,
      %broadcast_in_dim3A_87 = arith.constant 0.000000e+00 : f32
      %broadcast_in_dim3A_88 = vector.broadcast %broadcast_in_dim3A_87 : f32 to vector<1x1xf32>
      %swap3A_89 = arith.constant 0 : index
      %swap3A_90 = arith.constant 0 : index
      %swap3A_91 = vector.load %arg8[%swap3A_89, %swap3A_90] : memref<1x1xf32, #tpu.memory_space<vmem>>, vector<1x1xf32>
      tpu.vector_store %arg8[%swap3A_89, %swap3A_90], %broadcast_in_dim3A_88 {strides = array<i32>} : memref<1x1xf32, #tpu.memory_space<vmem>>, vector<1x1xf32>,
    } else {
    }
    %get3A = arith.constant 0 : index
    %get3A_2 = arith.constant 0 : index
    %get3A_3 = vector.load %arg1[%get3A, %get3A_2] : memref<1024x256xf32, #tpu.memory_space<vmem>>, vector<1024x256xf32>
    %get3A_4 = arith.constant 0 : index
    %get3A_5 = arith.constant 0 : index
    %get3A_6 = vector.load %arg2[%get3A_4, %get3A_5] : memref<1024x256xf32, #tpu.memory_space<vmem>>, vector<1024x256xf32>
    %get3A_7 = arith.constant 0 : index
    %get3A_8 = arith.constant 0 : index
    %get3A_9 = vector.load %arg5[%get3A_7, %get3A_8] : memref<256x1024xf32, #tpu.memory_space<vmem>>, vector<256x1024xf32>
    %get3A_10 = arith.constant 0 : index
    %get3A_11 = arith.constant 0 : index
    %get3A_12 = vector.load %arg6[%get3A_10, %get3A_11] : memref<1x1024xf32, #tpu.memory_space<vmem>>, vector<1x1024xf32>
    %dot_general3A = arith.constant dense<0.000000e+00> : vector<1024x1024xf32>
    %dot_general3A_13 = tpu.matmul %get3A_3, %get3A_9, %dot_general3A {dimension_numbers = #tpu.dot_dimension_numbers<[1], [0], [0], [1], [0, 0, 1, 1], [], []>, transpose_lhs_hint = false} : vector<1024x256xf32>, vector<256x1024xf32>, vector<1024x1024xf32> -> vector<1024x1024xf32>
    %mul3A = arith.constant 2.000000e+00 : f32
    %mul3A_14 = vector.broadcast %mul3A : f32 to vector<1024x1024xf32>
    %mul3A_15 = arith.mulf %mul3A_14, %dot_general3A_13 : vector<1024x1024xf32>
    %sub3A = vector.broadcast %get3A_12 : vector<1x1024xf32> to vector<1024x1024xf32>
    %sub3A_16 = arith.subf %sub3A, %mul3A_15 : vector<1024x1024xf32>
    %mul3A_17 = arith.constant 2.000000e+00 : f32
    %mul3A_18 = vector.broadcast %mul3A_17 : f32 to vector<1024x256xf32>
    %mul3A_19 = arith.mulf %mul3A_18, %get3A_3 : vector<1024x256xf32>
    %sub3A_20 = arith.subf %get3A_6, %mul3A_19 : vector<1024x256xf32>
    %mul3A_21 = arith.mulf %get3A_6, %sub3A_20 : vector<1024x256xf32>
    %reduce_sum3A = arith.constant dense<0.000000e+00> : vector<1024xf32>
    %reduce_sum3A_22 = vector.multi_reduction <add>, %mul3A_21, %reduce_sum3A [1] : vector<1024x256xf32> to vector<1024xf32>
    %broadcast_in_dim3A = vector.shape_cast %reduce_sum3A_22 : vector<1024xf32> to vector<1024x1xf32>
    %add3A = arith.constant 5.000000e-01 : f32
    %add3A_23 = vector.broadcast %add3A : f32 to vector<1024x1xf32>
    %add3A_24 = arith.addf %add3A_23, %broadcast_in_dim3A : vector<1024x1xf32>
    %sub3A_25 = vector.broadcast %add3A_24 : vector<1024x1xf32> to vector<1024x1024xf32>
    %sub3A_26 = arith.subf %sub3A_25, %sub3A_16 : vector<1024x1024xf32>
    %gt3A = arith.constant 0.000000e+00 : f32
    %gt3A_27 = vector.broadcast %gt3A : f32 to vector<1024x1024xf32>
    %gt3A_28 = arith.cmpf ogt, %sub3A_26, %gt3A_27 : vector<1024x1024xf32>
    %get3A_29 = arith.constant 0 : index
    %get3A_30 = arith.constant 0 : index
    %get3A_31 = vector.load %arg7[%get3A_29, %get3A_30] : memref<1x1xf32, #tpu.memory_space<vmem>>, vector<1x1xf32>
    %jit3A = arith.constant 0.000000e+00 : f32
    %broadcast_in_dim3A_32 = vector.broadcast %jit3A : f32 to vector<1024x1024xf32>
    %select_n3A = arith.select %gt3A_28, %sub3A_26, %broadcast_in_dim3A_32 : vector<1024x1024xi1>, vector<1024x1024xf32>
    %reduce_sum3A_33 = vector.shape_cast %select_n3A : vector<1024x1024xf32> to vector<1x1024x1024xf32>
    %reduce_sum3A_34 = arith.constant dense<0.000000e+00> : vector<1xf32>
    %reduce_sum3A_35 = vector.multi_reduction <add>, %reduce_sum3A_33, %reduce_sum3A_34 [1, 2] : vector<1x1024x1024xf32> to vector<1xf32>
    %reduce_sum3A_36 = vector.shape_cast %reduce_sum3A_35 : vector<1xf32> to vector<1x1x1xf32>
    %reduce_sum3A_37 = vector.extract %reduce_sum3A_36[0, 0, 0] : f32 from vector<1x1x1xf32>
    %reshape3A = vector.broadcast %reduce_sum3A_37 : f32 to vector<1x1xf32>
    %add3A_38 = arith.addf %get3A_31, %reshape3A : vector<1x1xf32>
    %swap3A = arith.constant 0 : index
    %swap3A_39 = arith.constant 0 : index
    %swap3A_40 = vector.load %arg7[%swap3A, %swap3A_39] : memref<1x1xf32, #tpu.memory_space<vmem>>, vector<1x1xf32>
    tpu.vector_store %arg7[%swap3A, %swap3A_39], %add3A_38 {strides = array<i32>} : memref<1x1xf32, #tpu.memory_space<vmem>>, vector<1x1xf32>,
    %get3A_41 = arith.constant 0 : index
    %get3A_42 = arith.constant 0 : index
    %get3A_43 = vector.load %arg8[%get3A_41, %get3A_42] : memref<1x1xf32, #tpu.memory_space<vmem>>, vector<1x1xf32>
    %convert_element_type3A_44 = arith.extui %gt3A_28 : vector<1024x1024xi1> to vector<1024x1024xi32>
    %convert_element_type3A_45 = arith.sitofp %convert_element_type3A_44 : vector<1024x1024xi32> to vector<1024x1024xf32>
    %reduce_sum3A_46 = vector.shape_cast %convert_element_type3A_45 : vector<1024x1024xf32> to vector<1x1024x1024xf32>
    %reduce_sum3A_47 = arith.constant dense<0.000000e+00> : vector<1xf32>
    %reduce_sum3A_48 = vector.multi_reduction <add>, %reduce_sum3A_46, %reduce_sum3A_47 [1, 2] : vector<1x1024x1024xf32> to vector<1xf32>
    %reduce_sum3A_49 = vector.shape_cast %reduce_sum3A_48 : vector<1xf32> to vector<1x1x1xf32>
    %reduce_sum3A_50 = vector.extract %reduce_sum3A_49[0, 0, 0] : f32 from vector<1x1x1xf32>
    %reshape3A_51 = vector.broadcast %reduce_sum3A_50 : f32 to vector<1x1xf32>
    %add3A_52 = arith.addf %get3A_43, %reshape3A_51 : vector<1x1xf32>
    %swap3A_53 = arith.constant 0 : index
    %swap3A_54 = arith.constant 0 : index
    %swap3A_55 = vector.load %arg8[%swap3A_53, %swap3A_54] : memref<1x1xf32, #tpu.memory_space<vmem>>, vector<1x1xf32>
    tpu.vector_store %arg8[%swap3A_53, %swap3A_54], %add3A_52 {strides = array<i32>} : memref<1x1xf32, #tpu.memory_space<vmem>>, vector<1x1xf32>,
    %eq3A_56 = arith.constant 3 : i32
    %eq3A_57 = arith.cmpi eq, %arg0, %eq3A_56 : i32
    %convert_element_type3A_58 = arith.extui %eq3A_57 : i1 to i32
    %cond3A_59 = arith.constant 0 : i32
    %cond3A_60 = arith.cmpi ne, %convert_element_type3A_58, %cond3A_59 : i32
    scf.if %cond3A_60 {
      %get3A_61 = arith.constant 0 : index
      %get3A_62 = arith.constant 0 : index
      %get3A_63 = vector.load %arg7[%get3A_61, %get3A_62] : memref<1x1xf32, #tpu.memory_space<vmem>>, vector<1x1xf32>
      %get3A_64 = vector.extract %get3A_63[0, 0] : f32 from vector<1x1xf32>
      %sub3A_65 = arith.constant 2.048000e+03 : f32
      %sub3A_66 = arith.subf %get3A_64, %sub3A_65 : f32
      %get3A_67 = arith.constant 0 : index
      %get3A_68 = arith.constant 0 : index
      %get3A_69 = vector.load %arg8[%get3A_67, %get3A_68] : memref<1x1xf32, #tpu.memory_space<vmem>>, vector<1x1xf32>
      %get3A_70 = vector.extract %get3A_69[0, 0] : f32 from vector<1x1xf32>
      %sub3A_71 = arith.constant 4.096000e+03 : f32
      %sub3A_72 = arith.subf %get3A_70, %sub3A_71 : f32
      %gt3A_73 = arith.constant 0.000000e+00 : f32
      %gt3A_74 = arith.cmpf ogt, %sub3A_72, %gt3A_73 : f32
      %max3A = arith.constant 1.000000e+00 : f32
      %max3A_75 = arith.maximumf %sub3A_72, %max3A : f32
      %div3A = arith.divf %sub3A_66, %max3A_75 : f32
      %jit3A_76 = arith.constant 0.000000e+00 : f32
      %select_n3A_77 = arith.select %gt3A_74, %div3A, %jit3A_76 : f32
      %reshape3A_78 = vector.broadcast %select_n3A_77 : f32 to vector<1x1xf32>
      %swap3A_79 = arith.constant 0 : index
      %swap3A_80 = arith.constant 0 : index
      %swap3A_81 = vector.load %arg4[%swap3A_79, %swap3A_80] : memref<1x1xf32, #tpu.memory_space<vmem>>, vector<1x1xf32>
      tpu.vector_store %arg4[%swap3A_79, %swap3A_80], %reshape3A_78 {strides = array<i32>} : memref<1x1xf32, #tpu.memory_space<vmem>>, vector<1x1xf32>,
    } else {
    }
    return
  }
  func.func @transform_0(%arg0: i32) -> (i32, i32) {
    %c0_i32 = arith.constant 0 : i32
    %c0_i32_0 = arith.constant 0 : i32
    return %arg0, %c0_i32 : i32, i32
  }
  func.func @transform_1(%arg0: i32) -> (i32, i32) {
    %c0_i32 = arith.constant 0 : i32
    %c0_i32_0 = arith.constant 0 : i32
    return %arg0, %c0_i32 : i32, i32
  }
  func.func @transform_2(%arg0: i32) -> (i32, i32) {
    %c0_i32 = arith.constant 0 : i32
    %c0_i32_0 = arith.constant 0 : i32
    %c0_i32_1 = arith.constant 0 : i32
    return %c0_i32, %c0_i32_0 : i32, i32
  }
  func.func @transform_3(%arg0: i32) -> (i32, i32) {
    %c0_i32 = arith.constant 0 : i32
    %c0_i32_0 = arith.constant 0 : i32
    %c0_i32_1 = arith.constant 0 : i32
    return %c0_i32, %c0_i32_0 : i32, i32
  }
}

</mosaic_0001>

<sc_bundles>
// kernel: kernel.4.cloned.1.call-start
scs
__scs_entry_jumppad:
0x0: {  	(pc) =	sbr.rel $0x88, $3  }
0x1: {  	(tag) =	ssettag $0x0;
	lr =	simm.s32 $0x1  }
0x2: {  	[smem:$0x3F9E] =	sst lr;
	_ =	strace $0xD0000000  }
0x3: {  	_ = 	snop  }
0x4: {  	_ = 	snop  }
0x5: {  	_ = 	snop  }
0x6: {  	_ = 	snop  }
0x7: {  	_ = 	snop  }
__scs_overlays_trampoline_lowered:
0x8: {  	[smem:$0x3FAD] =	sst s0  }
0x9: {  	[smem:$0x3FAE] =	sst s1  }
0xa: {  	[smem:$0x3FAF] =	sst s2  }
0xb: {  	[smem:$0x3FB0] =	sst s3  }
0xc: {  	[smem:$0x3FB1] =	sst s4  }
0xd: {  	[smem:$0x3FB2] =	sst s5  }
0xe: {  	[smem:$0x3FB3] =	sst s6  }
0xf: {  	[smem:$0x3FB4] =	sst s7  }
0x10: {  	[smem:$0x3FB5] =	sst s8  }
0x11: {  	[smem:$0x3FB6] =	sst s9;
	s0 =	simm.s32 @!p0 $0x0  }
0x12: {  	s1 =	sld [smem:$0x3F9C];
	s0 =	simm.s32 @p0 $0x1  }
0x13: {  	[smem:$0x3FB7] =	sst s0;
	s0 =	simm.s32 @!p1 $0x0  }
0x14: {  	s2 =	sld [smem:$0x3F9B];
	s0 =	simm.s32 @p1 $0x1  }
0x15: {  	[smem:$0x3FB8] =	sst s0;
	s0 =	simm.s32 @!p2 $0x0  }
0x16: {  	s3 =	sld [smem:$0x3FDB];
	s0 =	simm.s32 @p2 $0x1  }
0x17: {  	s4 =	simm.s32 $0x1BF5;
	[smem:$0x3FBA] =	sst s0  }
0x18: {  	s0 =	sld [smem:$0x3F9D];
	_ =	swait.ge [sflag:s4], $0x0  }
0x19: {  	s7 =	sld [smem:$0x3F9E]  }
0x1a: {  	s8 =	sadd.s32 $0xFFFFE003, lr  }
0x1b: {  	s9 =	sadd.s32 $0xFFFFFEF7, lr;
	s5 =	simm.s32 $0xFFFFFFFF;
	p2 =	slt.u32 s8, $0xFFFFF086  }
0x1c: {  	p1 =	slt.u32 s9, $0xF7A;
	s5 =	simm.s32 @!p2 $0x0  }
0x1d: {  	s5 =	simm.s32 @p1 $0x1;
	p0 =	seq.s32 s7, s2  }
0x1e: {  	s7 =	smul.u32 @!p0 $0xF7A, s2;
	p2 =	seq.s32 @!p0 s5, $0x0  }
0x1f: {  	s9 =	smul.u32 $0xF7A, s1;
	s8 =	simm.s32 @!p0 $0x1BF5;
	p2 =	por !p2, p0  }
0x20: {  	[sflag:s8] =	ssyncset.s32 @!p0 $0xFFFFF086;
	s6 =	sadd.s32 @!p0 s3, s7;
	s7 =	simm.s32 @!p0 $0x108  }
0x21: {  	s3 =	sadd.s32 s3, s9;
	s6 =	sadd.s32 @!p0 $0x88, s6;
	s7 =	simm.s32 @p2 $0x1082  }
0x22: {  	[simem:s7], [sflag:s8] =	dma.local @!p0 [hbm:s6], $0xF7A  }
0x23: {  	s9 =	sor.u32 $0xD0000000, s2;
	s6 =	simm.s32 $0x108;
	_ =	swait.ge @!p0 [sflag:s8], $0x0  }
0x24: {  	s3 =	sadd.s32 $0x88, s3;
	s6 =	simm.s32 @!p1 $0x1082;
	[sflag:s4] =	ssyncset.s32 $0xFFFFF086  }
0x25: {  	[simem:s6], [sflag:s4] =	dma.local [hbm:s3], $0xF7A  }
0x26: {  	[smem:$0x3F9E] =	sst s1;
	(tag) =	ssettag s2;
	_ =	strace s9  }
0x27: {  	s1 =	sld [smem:$0x3FAE]  }
0x28: {  	s2 =	sld [smem:$0x3FAF]  }
0x29: {  	s4 =	sld [smem:$0x3FB1]  }
0x2a: {  	p0 =	seq.s32 s5, $0x0;
	s5 =	sld [smem:$0x3FB2]  }
0x2b: {  	s6 =	sld [smem:$0x3FB3]  }
0x2c: {  	s7 =	sld [smem:$0x3FB4]  }
0x2d: {  	s3 =	simm.s32 $0x108;
	s8 =	sld [smem:$0x3FB5]  }
0x2e: {  	s3 =	simm.s32 @!p0 $0x1082;
	s9 =	sld [smem:$0x3FB6]  }
0x2f: {  	lr =	sadd.s32 s0, s3;
	s0 =	sld [smem:$0x3FAD]  }
0x30: {  	s3 =	sld [smem:$0x3FB0]  }
0x31: {  	[smem:$0x3FB9] =	sst s10  }
0x32: {  	s10 =	sld [smem:$0x3FB7];
	_ =	sdelay $0x3  }
0x33: {  	p0 =	seq.s32 s10, $0x1;
	s10 =	sld [smem:$0x3FB9];
	_ =	sdelay $0x3  }
0x34: {  	[smem:$0x3FB9] =	sst s10  }
0x35: {  	s10 =	sld [smem:$0x3FB8];
	_ =	sdelay $0x3  }
0x36: {  	p1 =	seq.s32 s10, $0x1;
	s10 =	sld [smem:$0x3FB9];
	_ =	sdelay $0x3  }
0x37: {  	[smem:$0x3FB9] =	sst s10  }
0x38: {  	s10 =	sld [smem:$0x3FBA]  }
0x39: {  	_ = 	snop;
	(pc) =	sbr.ind lr, $3  }
0x3a: {  	_ = 	snop  }
0x3b: {  	_ = 	snop  }
0x3c: {  	p2 =	seq.s32 s10, $0x1;
	s10 =	sld [smem:$0x3FB9]  }
0x3d: {  	_ =	shalt  }
0x3e: {  	_ =	shalt  }
0x3f: {  	_ =	shalt  }
0x40: {  	_ =	shalt  }
0x41: {  	_ =	shalt  }
0x42: {  	_ =	shalt  }
0x43: {  	_ =	shalt  }
0x44: {  	_ =	shalt  }
0x45: {  	_ =	shalt  }
0x46: {  	_ =	shalt  }
0x47: {  	_ =	shalt  }
0x48: {  	_ =	shalt  }
0x49: {  	_ =	shalt  }
0x4a: {  	_ =	shalt  }
0x4b: {  	_ =	shalt  }
0x4c: {  	_ =	shalt  }
0x4d: {  	_ =	shalt  }
0x4e: {  	_ =	shalt  }
0x4f: {  	_ =	shalt  }
0x50: {  	_ =	shalt  }
0x51: {  	_ =	shalt  }
0x52: {  	_ =	shalt  }
0x53: {  	_ =	shalt  }
0x54: {  	_ =	shalt  }
0x55: {  	_ =	shalt  }
0x56: {  	_ =	shalt  }
0x57: {  	_ =	shalt  }
0x58: {  	_ =	shalt  }
0x59: {  	_ =	shalt  }
0x5a: {  	_ =	shalt  }
0x5b: {  	_ =	shalt  }
0x5c: {  	_ =	shalt  }
0x5d: {  	_ =	shalt  }
0x5e: {  	_ =	shalt  }
0x5f: {  	_ =	shalt  }
0x60: {  	_ =	shalt  }
0x61: {  	_ =	shalt  }
0x62: {  	_ =	shalt  }
0x63: {  	_ =	shalt  }
0x64: {  	_ =	shalt  }
0x65: {  	_ =	shalt  }
0x66: {  	_ =	shalt  }
0x67: {  	_ =	shalt  }
0x68: {  	_ =	shalt  }
0x69: {  	_ =	shalt  }
0x6a: {  	_ =	shalt  }
0x6b: {  	_ =	shalt  }
0x6c: {  	_ =	shalt  }
0x6d: {  	_ =	shalt  }
0x6e: {  	_ =	shalt  }
0x6f: {  	_ =	shalt  }
0x70: {  	_ =	shalt  }
0x71: {  	_ =	shalt  }
0x72: {  	_ =	shalt  }
0x73: {  	_ =	shalt  }
0x74: {  	_ =	shalt  }
0x75: {  	_ =	shalt  }
0x76: {  	_ =	shalt  }
0x77: {  	_ =	shalt  }
0x78: {  	_ =	shalt  }
0x79: {  	_ =	shalt  }
0x7a: {  	_ =	shalt  }
0x7b: {  	_ =	shalt  }
0x7c: {  	_ =	shalt  }
0x7d: {  	_ =	shalt  }
0x7e: {  	_ =	shalt  }
0x7f: {  	_ =	shalt  }
0x80: {  	_ =	shalt  }
0x81: {  	_ =	shalt  }
0x82: {  	_ =	shalt  }
0x83: {  	_ =	shalt  }
0x84: {  	_ =	shalt  }
0x85: {  	_ =	shalt  }
0x86: {  	_ =	shalt  }
0x87: {  	_ =	shalt  }
.Lfunc_end0:
.L_simem_size_0:
called_computation_lowered:
.L_overlay_start_0:
0x88: {  	s2 =	sld [smem:$0x3FD9]  }
0x89: {  	s3 =	sld [smem:$0x3FFE];
	_ =	sdelay $0x1  }
0x8a: {  	s1 =	srdreg.scid  }
0x8b: {  	s0 =	sand.u32 $0x1, s1  }
0x8c: {  	s17 =	sshll.u32 s0, $0xA;
	s2 =	sadd.s32 s3, s2  }
0x8d: {  	s2 =	sadd.s32 s2, s17  }
0x8e: {  	[smem:$0x3FC5] =	sst s2  }
0x8f: {  	_ = 	snop  }
0x90: {  	s2 =	sld [smem:$0x3FC8]  }
0x91: {  	s18 =	sld [smem:$0x3FC7];
	(tm) =	ssettm $0x1  }
0x92: {  	s4 =	sld [smem:$0x3FFB];
	_ =	sdelay $0x3  }
0x93: {  	_ =	strace s4  }
0x94: {  	s4 =	sld [smem:$0x3FFC];
	_ =	sdelay $0x3  }
0x95: {  	_ =	strace s4  }
0x96: {  	s4 =	sld [smem:$0x3FFD];
	_ =	sdelay $0x3  }
0x97: {  	_ =	strace s4  }
0x98: {  	_ =	strace $0x8FFFFFFF  }
0x99: {  	s19 =	sld [smem:$0x3FDB];
	_ =	sdelay $0x1  }
0x9a: {  	s5 =	simm.s32 $_scs_section_size  }
0x9b: {  	s6 =	simm.s32 $_size__tile_overlayer_lowered;
	s7 =	simm.s32 $_tile_overlayer_lowered  }
0x9c: {  	s22 =	simm.s32 $0x1BFF;
	s21 =	sshll.u32 s7, $0x1;
	s4 =	sadd.s32 s5, s19  }
0x9d: {  	s8 =	simm.s32 $0x0;
	s20 =	sshll.u32 s6, $0x1;
	s6 =	sadd.s32 s21, s4  }
0x9e: {  	[timem:s8], [sflag:s22] =	dma.local [hbm:s6], s20  }
0x9f: {  	_ =	swait.ge [sflag:s22], s20  }
0xa0: {  	s5 =	ssub.s32 $0x0, s20;
	[sflag:s22] =	ssyncset.done $0x0  }
0xa1: {  	[sflag:s22] =	ssyncadd.s32 s5;
	_ =	sdelay $0x1  }
0xa2: {  	s23 =	simm.s32 $0x1B8B  }
0xa3: {  	_ =	swait.ge [sflag:s23], $0x1  }
0xa4: {  	[sflag:s23] =	ssyncset.done $0x0  }
0xa5: {  	s25 =	simm.s32 $0x1B8E;
	s24 =	sld [smem:$0x3FFE];
	[sflag:s23] =	ssyncadd.s32 $0xFFFFFFFF  }
0xa6: {  	s26 =	simm.s32 $execute0_lowered;
	[smem:$0x3FD2] =	sst s25  }
0xa7: {  	s6 =	sshll.u32 s26, $0x1;
	_ =	strace $0x80000046;
	[dreg:$0x1] =	wrdreg $0xFFFFFFFF  }
0xa8: {  	s28 =	simm.s32 $_size_execute0_lowered;
	s4 =	sadd.s32 s4, s6;
	[dreg:$0x0] =	wrdreg $0x0  }
0xa9: {  	s6 =	sshll.u32 s28, $0x1;
	[dreg:$0x2] =	wrdreg s4  }
0xaa: {  	[dreg:$0x3] =	wrdreg s6  }
0xab: {  	[dreg:$0x4] =	wrdreg $0xC0  }
0xac: {  	_ =	task [dreg:s8], $0x5FFFF  }
0xad: {  	[dreg:$0x1] =	wrdreg $0xFFFFFFFF  }
0xae: {  	[dreg:$0x0] =	wrdreg $0x60  }
0xaf: {  	[dreg:$0x2] =	wrdreg s2  }
0xb0: {  	[dreg:$0x3] =	wrdreg s18  }
0xb1: {  	[dreg:$0x4] =	wrdreg s24  }
0xb2: {  	[dreg:$0x5] =	wrdreg $0x9  }
0xb3: {  	_ =	task.clear_ibuf [dreg:s8], $0x6FFFF;
	_ =	strace $0x90000046  }
0xb4: {  	s29 =	simm.s32 $0x9;
	_ =	strace $0x80000048  }
0xb5: {  	_ =	swait.ge [sflag:s29], $0x1  }
0xb6: {  	[sflag:s29] =	ssyncadd.s32 $0xFFFFFFFF  }
0xb7: {  	_ =	strace $0x90000048  }
0xb8: {  	_ =	sfence  }
0xb9: {  	s30 =	sld [smem:$0x0];
	_ =	sdelay $0x2  }
0xba: {  	s31 =	sshll.u32 s1, $0xD;
	s1 =	sshrl.u32 s1, $0x2  }
0xbb: {  	s3 =	sand.u32 $0x4000, s31;
	s1 =	sadd.s32 s1, s30  }
0xbc: {  	s0 =	sor.u32 s3, s0;
	s1 =	sshll.u32 s1, $0x11  }
0xbd: {  	s0 =	sor.u32 s1, s0  }
0xbe: {  	s0 =	sadd.s32 $0x8F2B, s0  }
0xbf: {  	[sflag:s0] =	ssyncadd.remote.s32 $0x1  }
0xc0: {  	_ =	sfence.sel $0xFFFF  }
0xc1: {  	[dreg:$0x0] =	wrdreg $0xFFFFFFFF;
	(pc) =	sbr.abs _section_cstart, $3  }
0xc2: {  	[dreg:$0x1] =	wrdreg $0xFFFFFFFF  }
0xc3: {  	_ =	task.clear_ibuf [dreg:s8], $0x2FFFF;
	_ =	strace $0x9FFFFFFF  }
0xc4: {  	(tm) =	ssettm $0x7FFFFFFF  }
0xc5: {  	_ =	shalt  }
tec
execute0_lowered:
.L_overlay_start_1:
0x0: {  	(tag) =	ssettag $0x1  }
0x1: {  	s4 =	rddreg [dreg:$0x0]  }
0x2: {  	s2 =	rddreg [dreg:$0x1]  }
0x3: {  	s5 =	rddreg [dreg:$0x2];
	s3 =	srdreg.scid  }
0x4: {  	s0 =	rddreg [dreg:$0x3];
	s1 =	stileid.u32;
	s10 =	simm.s32 $0x1080  }
0x5: {  	s11 =	simm.s32 $0x1880;
	s12 =	simm.s32 $0x2080;
	s13 =	simm.s32 $0x2880  }
0x6: {  	s14 =	simm.s32 $0x3080;
	s15 =	simm.s32 $0x3880;
	s16 =	simm.s32 $0x4080  }
0x7: {  	s17 =	simm.s32 $0x4880;
	s18 =	simm.s32 $0x5080;
	s19 =	simm.s32 $0x5880  }
0x8: {  	s20 =	simm.s32 $0x6080;
	s21 =	simm.s32 $0x6880;
	s22 =	simm.s32 $0x7080  }
0x9: {  	s23 =	simm.s32 $0x7880;
	s24 =	simm.s32 $0x1;
	s6 =	sand.u32 $0x1, s3  }
0xa: {  	s3 =	simm.s32 $0x0;
	s7 =	sshll.u32 s1, $0x8;
	s8 =	sshll.u32 s6, $0x7  }
0xb: {  	[smem:$0x7FF] =	sst s3;
	s6 =	ssub.s32 $0x2, s6;
	s7 =	sor.u32 s8, s7  }
0xc: {  	_ =	strace $0x80000047;
	s9 =	sshrl.u32 s6, $0x1;
	s8 =	sshll.u32 s7, $0x5  }
0xd: {  	v2 =	vlaneseq.u32;
	s6 =	ssub.s32 s6, s9;
	s7 =	sshrl.u32 s7, $0x3;
	s9 =	simm.s32 $0x880  }
0xe: {  	vm0 =	vmmov $0xffff;
	v1 =	vshrl.u32 v2, $0x3;
	s5 =	sadd.s32 s8, s5;
	s4 =	sadd.s32 s4, s7;
	s6 =	smax.u32 s6, $0x1  }
0xf: {  	v0 =	vand.u32 $0x7, v2;
	v2 =	vor.u32 $0x8, v2;
	v1 =	vmul.u32 $0x8, v1;
	s7 =	simm.s32 $0x2;
	s8 =	simm.s32 $0x80;
	s5 =	sadd.s32 $0xA00, s5  }
.LBB2_1:
0x10: {  	[tilespmem:s3], [sflag:$0x2] =	stream.linear.gather [hbm4b:s4+s3], $0x80, $0x38;
	[tilespmem:$0x8080] =	vst v63  }
0x11: {  	_ =	swait.ge [sflag:s7], $0x80  }
0x12: {  	[sflag:s7] =	ssyncset.done $0x0  }
0x13: {  	[sflag:s7] =	ssyncadd.s32 $0xFFFFFF80  }
0x14: {  	v3 =	vld [tilespmem:$0x0];
	_ =	sdelay $0x4  }
0x15: {  	v4 =	vshll.u32 v3, $0x1  }
0x16: {  	v3 =	vand.u32 $0x7, v3;
	v4 =	vand.u32 $0xFFFFFFF0, v4  }
0x17: {  	v3 =	vor.u32 v3, v4  }
0x18: {  	v4 =	vperm.xlane v3, v0;
	_ =	sdelay $0x1  }
0x19: {  	v3 =	vperm.xlane v3, v2;
	v4 =	vadd.s32 v1, v4;
	_ =	sdelay $0x1  }
0x1a: {  	v3 =	vadd.s32 v1, v3;
	_ =	sdelay $0x2  }
0x1b: {  	[tilespmem:s8], [sflag:$0x1] =	stream.indirect_vreg.gather [hbm4b:s2+s3], $0x80, v4, vm0, $0xb8;
	[tilespmem:$0x8080] =	vst v63  }
0x1c: {  	_ = 	snop  }
0x1d: {  	[tilespmem:s9], [sflag:$0x1] =	stream.indirect_vreg.gather [hbm4b:s2+s3], $0x80, v3, vm0, $0xb8;
	[tilespmem:$0x8080] =	vst v63  }
0x1e: {  	v3 =	vld [tilespmem:$0x10];
	_ =	sdelay $0x4  }
0x1f: {  	v57 =	vshll.u32 v3, $0x1  }
0x20: {  	v3 =	vand.u32 $0x7, v3;
	v4 =	vand.u32 $0xFFFFFFF0, v57  }
0x21: {  	v3 =	vor.u32 v3, v4  }
0x22: {  	v4 =	vperm.xlane v3, v0;
	_ =	sdelay $0x1  }
0x23: {  	v3 =	vperm.xlane v3, v2;
	v4 =	vadd.s32 v1, v4;
	_ =	sdelay $0x1  }
0x24: {  	v3 =	vadd.s32 v1, v3;
	_ =	sdelay $0x2  }
0x25: {  	[tilespmem:s10], [sflag:$0x1] =	stream.indirect_vreg.gather [hbm4b:s2+s3], $0x80, v4, vm0, $0xb8;
	[tilespmem:$0x8080] =	vst v63  }
0x26: {  	_ = 	snop  }
0x27: {  	[tilespmem:s11], [sflag:$0x1] =	stream.indirect_vreg.gather [hbm4b:s2+s3], $0x80, v3, vm0, $0xb8;
	[tilespmem:$0x8080] =	vst v63  }
0x28: {  	v3 =	vld [tilespmem:$0x20];
	_ =	sdelay $0x4  }
0x29: {  	v58 =	vshll.u32 v3, $0x1  }
0x2a: {  	v3 =	vand.u32 $0x7, v3;
	v4 =	vand.u32 $0xFFFFFFF0, v58  }
0x2b: {  	v3 =	vor.u32 v3, v4  }
0x2c: {  	v4 =	vperm.xlane v3, v0;
	_ =	sdelay $0x1  }
0x2d: {  	v3 =	vperm.xlane v3, v2;
	v4 =	vadd.s32 v1, v4;
	_ =	sdelay $0x1  }
0x2e: {  	v3 =	vadd.s32 v1, v3;
	_ =	sdelay $0x2  }
0x2f: {  	[tilespmem:s12], [sflag:$0x1] =	stream.indirect_vreg.gather [hbm4b:s2+s3], $0x80, v4, vm0, $0xb8;
	[tilespmem:$0x8080] =	vst v63  }
0x30: {  	_ = 	snop  }
0x31: {  	[tilespmem:s13], [sflag:$0x1] =	stream.indirect_vreg.gather [hbm4b:s2+s3], $0x80, v3, vm0, $0xb8;
	[tilespmem:$0x8080] =	vst v63  }
0x32: {  	v3 =	vld [tilespmem:$0x30];
	_ =	sdelay $0x4  }
0x33: {  	v59 =	vshll.u32 v3, $0x1  }
0x34: {  	v3 =	vand.u32 $0x7, v3;
	v4 =	vand.u32 $0xFFFFFFF0, v59  }
0x35: {  	v3 =	vor.u32 v3, v4  }
0x36: {  	v4 =	vperm.xlane v3, v0;
	_ =	sdelay $0x1  }
0x37: {  	v3 =	vperm.xlane v3, v2;
	v4 =	vadd.s32 v1, v4;
	_ =	sdelay $0x1  }
0x38: {  	v3 =	vadd.s32 v1, v3;
	_ =	sdelay $0x2  }
0x39: {  	[tilespmem:s14], [sflag:$0x1] =	stream.indirect_vreg.gather [hbm4b:s2+s3], $0x80, v4, vm0, $0xb8;
	[tilespmem:$0x8080] =	vst v63  }
0x3a: {  	_ = 	snop  }
0x3b: {  	[tilespmem:s15], [sflag:$0x1] =	stream.indirect_vreg.gather [hbm4b:s2+s3], $0x80, v3, vm0, $0xb8;
	[tilespmem:$0x8080] =	vst v63  }
0x3c: {  	v3 =	vld [tilespmem:$0x40];
	_ =	sdelay $0x4  }
0x3d: {  	v60 =	vshll.u32 v3, $0x1  }
0x3e: {  	v3 =	vand.u32 $0x7, v3;
	v4 =	vand.u32 $0xFFFFFFF0, v60  }
0x3f: {  	v3 =	vor.u32 v3, v4  }
0x40: {  	v4 =	vperm.xlane v3, v0;
	_ =	sdelay $0x1  }
0x41: {  	v3 =	vperm.xlane v3, v2;
	v4 =	vadd.s32 v1, v4;
	_ =	sdelay $0x1  }
0x42: {  	v3 =	vadd.s32 v1, v3;
	_ =	sdelay $0x2  }
0x43: {  	[tilespmem:s16], [sflag:$0x1] =	stream.indirect_vreg.gather [hbm4b:s2+s3], $0x80, v4, vm0, $0xb8;
	[tilespmem:$0x8080] =	vst v63  }
0x44: {  	_ = 	snop  }
0x45: {  	[tilespmem:s17], [sflag:$0x1] =	stream.indirect_vreg.gather [hbm4b:s2+s3], $0x80, v3, vm0, $0xb8;
	[tilespmem:$0x8080] =	vst v63  }
0x46: {  	v3 =	vld [tilespmem:$0x50];
	_ =	sdelay $0x4  }
0x47: {  	v61 =	vshll.u32 v3, $0x1  }
0x48: {  	v3 =	vand.u32 $0x7, v3;
	v4 =	vand.u32 $0xFFFFFFF0, v61  }
0x49: {  	v3 =	vor.u32 v3, v4  }
0x4a: {  	v4 =	vperm.xlane v3, v0;
	_ =	sdelay $0x1  }
0x4b: {  	v3 =	vperm.xlane v3, v2;
	v4 =	vadd.s32 v1, v4;
	_ =	sdelay $0x1  }
0x4c: {  	v3 =	vadd.s32 v1, v3;
	_ =	sdelay $0x2  }
0x4d: {  	[tilespmem:s18], [sflag:$0x1] =	stream.indirect_vreg.gather [hbm4b:s2+s3], $0x80, v4, vm0, $0xb8;
	[tilespmem:$0x8080] =	vst v63  }
0x4e: {  	_ = 	snop  }
0x4f: {  	[tilespmem:s19], [sflag:$0x1] =	stream.indirect_vreg.gather [hbm4b:s2+s3], $0x80, v3, vm0, $0xb8;
	[tilespmem:$0x8080] =	vst v63  }
0x50: {  	v3 =	vld [tilespmem:$0x60];
	_ =	sdelay $0x4  }
0x51: {  	v62 =	vshll.u32 v3, $0x1  }
0x52: {  	v3 =	vand.u32 $0x7, v3;
	v4 =	vand.u32 $0xFFFFFFF0, v62  }
0x53: {  	v3 =	vor.u32 v3, v4  }
0x54: {  	v4 =	vperm.xlane v3, v0;
	_ =	sdelay $0x1  }
0x55: {  	v3 =	vperm.xlane v3, v2;
	v4 =	vadd.s32 v1, v4;
	_ =	sdelay $0x1  }
0x56: {  	v3 =	vadd.s32 v1, v3;
	_ =	sdelay $0x2  }
0x57: {  	[tilespmem:s20], [sflag:$0x1] =	stream.indirect_vreg.gather [hbm4b:s2+s3], $0x80, v4, vm0, $0xb8;
	[tilespmem:$0x8080] =	vst v63  }
0x58: {  	_ = 	snop  }
0x59: {  	[tilespmem:s21], [sflag:$0x1] =	stream.indirect_vreg.gather [hbm4b:s2+s3], $0x80, v3, vm0, $0xb8;
	[tilespmem:$0x8080] =	vst v63  }
0x5a: {  	v3 =	vld [tilespmem:$0x70];
	_ =	sdelay $0x4  }
0x5b: {  	v63 =	vshll.u32 v3, $0x1  }
0x5c: {  	v3 =	vand.u32 $0x7, v3;
	v4 =	vand.u32 $0xFFFFFFF0, v63  }
0x5d: {  	v3 =	vor.u32 v3, v4  }
0x5e: {  	v4 =	vperm.xlane v3, v0;
	_ =	sdelay $0x1  }
0x5f: {  	v3 =	vperm.xlane v3, v2;
	v4 =	vadd.s32 v1, v4;
	_ =	sdelay $0x1  }
0x60: {  	v3 =	vadd.s32 v1, v3;
	_ =	sdelay $0x2  }
0x61: {  	[tilespmem:s22], [sflag:$0x1] =	stream.indirect_vreg.gather [hbm4b:s2+s3], $0x80, v4, vm0, $0xb8;
	[tilespmem:$0x8080] =	vst v63  }
0x62: {  	_ = 	snop  }
0x63: {  	[tilespmem:s23], [sflag:$0x1] =	stream.indirect_vreg.gather [hbm4b:s2+s3], $0x80, v3, vm0, $0xb8;
	[tilespmem:$0x8080] =	vst v63  }
0x64: {  	_ =	swait.ge [sflag:s24], $0x8000  }
0x65: {  	p0 =	sne.s32 s6, $0x1;
	[sflag:s24] =	ssyncset.done $0x0  }
.Ltmp0:
0x66: {  	[sflag:s24] =	ssyncadd.s32 $0xFFFF8000;
	(pc) =	sbr.rel @p0 .LBB2_1-.Ltmp0, $4  }
0x67: {  	[hbm4b:s5+s3] =	stream.linear.scatter [tilespmem:s8], [sflag:$0x2], $0x8000, $0x38;
	[tilespmem:$0x8080] =	vst v63  }
0x68: {  	_ =	swait.ge [sflag:s7], $0x8000  }
0x69: {  	[sflag:s7] =	ssyncset.done $0x0  }
0x6a: {  	s6 =	sadd.s32 $0xFFFFFFFF, s6;
	[sflag:s7] =	ssyncadd.s32 $0xFFFF8000  }
0x6b: {  	_ =	sfence.sel $0x180000  }
0x6c: {  	[bflag:$0x0] =	sbarrier.arrive $0xFFFF  }
0x6d: {  	p0 =	sne.s32 s1, $0x0;
	_ =	strace $0x90000047  }
0x6e: {  	s0 =	sadd.s32 @!p0 $0x100000, s0;
	[bflag:$0x2] =	sbarrier.arrive $0xFFFF  }
0x6f: {  	[sflag:s0] =	ssyncadd.tile.s32 @!p0 $0x1;
	_ =	shalt  }
.Lfunc_end2:
_tile_overlayer_lowered:
.L_overlay_start_2:
0x70: {  	(tag) =	ssettag $0x2  }
0x71: {  	s0 =	rddreg [dreg:$0x0];
	s2 =	stileid.u32  }
0x72: {  	s1 =	rddreg [dreg:$0x1];
	p0 =	sne.s32 s2, $0x0  }
0x73: {  	s3 =	rddreg [dreg:$0x2];
	[bflag:$0x3] =	sbarrier.arrive $0xFFFF;
	s2 =	simm.s32 @!p0 $0x1C02  }
0x74: {  	[timem:s3], [sflag:s2] =	dma.local @!p0 [hbm:s0], s1  }
0x75: {  	s0 =	simm.s32 @!p0 $0x2  }
0x76: {  	_ =	swait.ge @!p0 [sflag:s0], s1  }
0x77: {  	s1 =	ssub.s32 @!p0 $0x0, s1;
	[sflag:s0] =	ssyncset.done @!p0 $0x0  }
0x78: {  	[sflag:s0] =	ssyncadd.s32 @!p0 s1  }
0x79: {  	[bflag:$0x3] =	sbarrier.arrive $0xFFFF  }
0x7a: {  	_ =	shalt  }

</sc_bundles>
